<compile_context>
chip_gen: v7x
topology: tpu7x:2x2x1
jax: 0.10.2.dev20260603
libtpu: 0.0.44.dev20260713+nightly
codegen_flags: <defaults>
</compile_context>

<pallas_src>
import jax
import jax.numpy as jnp
from jax import lax
from jax.experimental import pallas as pl
from jax.experimental.pallas import tpu as pltpu
from jax.experimental.pallas import tpu_sc as plsc

NC = 2
NS = 16
NW = NC * NS
L = 16


def _sc_body(ids_hbm, table_hbm, out_hbm, idx_v, table_v, sem):
    wid = lax.axis_index("s") * NC + lax.axis_index("c")
    n_tok = ids_hbm.shape[0]
    b_per_w = n_tok // NW
    base = wid * b_per_w

    pltpu.sync_copy(table_hbm, table_v)
    pltpu.sync_copy(ids_hbm.at[pl.ds(base, b_per_w)], idx_v)

    def tok_body(t, carry):
        id_vec = plsc.load_gather(idx_v, [jnp.full((L,), t, jnp.int32)])
        id_s = lax.reduce_max(id_vec, axes=(0,))
        pltpu.async_copy(
            table_v.at[pl.ds(id_s, 1)],
            out_hbm.at[pl.ds(base + t, 1)],
            sem)
        return carry

    lax.fori_loop(0, b_per_w, tok_body, 0)

    def drain_body(t, carry):
        pltpu.make_async_copy(
            table_v.at[pl.ds(0, 1)], out_hbm.at[pl.ds(base, 1)], sem
        ).wait()
        return carry

    lax.fori_loop(0, b_per_w, drain_body, 0)


def kernel(token_type_ids, W_token_type):
    B, S = token_type_ids.shape
    D = W_token_type.shape[1]
    n_tok = B * S
    ids = token_type_ids.reshape(n_tok).astype(jnp.int32)
    mesh = plsc.VectorSubcoreMesh(
        core_axis_name="c", subcore_axis_name="s",
        num_cores=NC, num_subcores=NS,
    )
    out = pl.kernel(
        _sc_body,
        out_type=jax.ShapeDtypeStruct((n_tok, D), jnp.float32),
        mesh=mesh,
        compiler_params=pltpu.CompilerParams(needs_layout_passes=False),
        scratch_types=[
            pltpu.VMEM((n_tok // NW,), jnp.int32),
            pltpu.VMEM((2, D), jnp.float32),
            pltpu.SemaphoreType.DMA,
        ],
    )(ids, W_token_type)
    return out.reshape(B, S, D)

# --- scband reference (transcript-rebuilt; emitter-appended) ---
"""Pipeline reference for scband-token-type-embed-9199819948113 (READ-ONLY COPY).

The authoritative reference and input builder live on the scoring server;
editing this copy changes nothing except your own understanding.
"""

import jax, jax.numpy as jnp
import numpy as np

D_MODEL = 1024
BATCH = 4
SEQ = 8192

def setup_inputs(seed: int = 0) -> dict:
    key = jax.random.key(seed)
    k1, k2 = jax.random.split(key)
    token_type_ids = jax.random.randint(k1, (BATCH, SEQ), 0, 2, dtype=jnp.int64 if jax.config.jax_enable_x64 else jnp.int32)
    W_token_type = jax.random.normal(k2, (2, D_MODEL), dtype=jnp.float32)
    return {"token_type_ids": token_type_ids, "W_token_type": W_token_type}

def reference(token_type_ids, W_token_type):
    # Faithful translation of TokenTypeEmbed.forward: W_token_type[token_type_ids, :]
    return jnp.take(W_token_type, token_type_ids, axis=0)

if __name__ == "__main__":
    import jax
    _d = setup_inputs()
    print(jax.jit(kernel)(*tuple(_d.values())))

</pallas_src>

<mosaic_0001>
#map = affine_map<(d0, d1) -> (0)>
#map1 = affine_map<(d0, d1) -> (0, 0)>
module attributes {stable_mosaic.version = 14 : i64} {
  func.func @_sc_body(%arg0: i32, %arg1: i32, %arg2: memref<32768xi32, #tpu.memory_space<hbm>>, %arg3: memref<2x1024xf32, #tpu.memory_space<hbm>>, %arg4: memref<32768x1024xf32, #tpu.memory_space<hbm>>, %arg5: memref<1024xi32, #tpu.memory_space<vmem>>, %arg6: memref<2x1024xf32, #tpu.memory_space<vmem>>, %arg7: memref<!tpu.dma_semaphore, #tpu.memory_space<semaphore_mem>>) attributes {dimension_semantics = [#tpu.dimension_semantics<core_parallel>, #tpu.dimension_semantics<subcore_parallel>], iteration_bounds = array<i64: 2, 16>, scalar_prefetch = 0 : i64, scratch_operands = 3 : i64, tpu.core_type = #tpu.core_type<sc_vector_subcore>, window_params = [{transform_indices = #map}, {transform_indices = #map1}, {transform_indices = #map1}]} {
    %mul3A = arith.constant 2 : i32
    %mul3A_0 = arith.muli %arg1, %mul3A : i32
    %add3A = arith.addi %mul3A_0, %arg0 : i32
    %mul3A_1 = arith.constant 1024 : i32
    %mul3A_2 = arith.muli %add3A, %mul3A_1 : i32
    "tpu.region"() ({
      %run_scoped3A = tpu.sem_alloc : memref<!tpu.dma_semaphore, #tpu.memory_space<semaphore_mem>>
      tpu.enqueue_dma source(%arg3 : memref<2x1024xf32, #tpu.memory_space<hbm>>) target(%arg6 : memref<2x1024xf32, #tpu.memory_space<vmem>>) target_semaphore(%run_scoped3A : memref<!tpu.dma_semaphore, #tpu.memory_space<semaphore_mem>>)
      tpu.wait_dma2 semaphore(%run_scoped3A : memref<!tpu.dma_semaphore, #tpu.memory_space<semaphore_mem>>) src(%arg3 : memref<2x1024xf32, #tpu.memory_space<hbm>>) dst(%arg6 : memref<2x1024xf32, #tpu.memory_space<vmem>>)
      tpu.yield
    }) : () -> ()
    "tpu.region"() ({
      %run_scoped3A = tpu.sem_alloc : memref<!tpu.dma_semaphore, #tpu.memory_space<semaphore_mem>>
      %dma_start3A = tpu.memref_slice %arg2[%mul3A_2] : memref<32768xi32, #tpu.memory_space<hbm>> -> memref<1024xi32, #tpu.memory_space<hbm>>
      %dma_start3A_14 = tpu.memref_slice %arg2[%mul3A_2] : memref<32768xi32, #tpu.memory_space<hbm>> -> memref<1024xi32, #tpu.memory_space<hbm>>
      tpu.enqueue_dma source(%dma_start3A_14 : memref<1024xi32, #tpu.memory_space<hbm>>) target(%arg5 : memref<1024xi32, #tpu.memory_space<vmem>>) target_semaphore(%run_scoped3A : memref<!tpu.dma_semaphore, #tpu.memory_space<semaphore_mem>>)
      %dma_wait3A = tpu.memref_slice %arg2[%mul3A_2] : memref<32768xi32, #tpu.memory_space<hbm>> -> memref<1024xi32, #tpu.memory_space<hbm>>
      %dma_wait3A_15 = tpu.memref_slice %arg2[%mul3A_2] : memref<32768xi32, #tpu.memory_space<hbm>> -> memref<1024xi32, #tpu.memory_space<hbm>>
      tpu.wait_dma2 semaphore(%run_scoped3A : memref<!tpu.dma_semaphore, #tpu.memory_space<semaphore_mem>>) src(%dma_wait3A_15 : memref<1024xi32, #tpu.memory_space<hbm>>) dst(%arg5 : memref<1024xi32, #tpu.memory_space<vmem>>)
      tpu.yield
    }) : () -> ()
    %scan3A = arith.constant 0 : i32
    %scan3A_3 = arith.constant 0 : i32
    %scan3A_4 = arith.constant 1024 : i32
    %scan3A_5 = arith.addi %scan3A_3, %scan3A_4 : i32
    %scan3A_6 = arith.constant 1 : i32
    scf.for %scan3A_14 = %scan3A_3 to %scan3A_5 step %scan3A_6  : i32 {
      %broadcast_in_dim3A = vector.broadcast %scan3A_14 : i32 to vector<16xi32>
      %gather3A = tpu.vector_load_idx %arg5[%broadcast_in_dim3A] : memref<1024xi32, #tpu.memory_space<vmem>>[vector<16xi32>], vector<16xi32>,
      %reduce_max3A = arith.constant true
      %reduce_max3A_15 = vector.broadcast %reduce_max3A : i1 to vector<16xi1>
      %reduce_max3A_16 = arith.constant -2147483648 : i32
      %reduce_max3A_17 = vector.broadcast %reduce_max3A_16 : i32 to vector<16xi32>
      %reduce_max3A_18 = arith.xori %gather3A, %reduce_max3A_17 : vector<16xi32>
      %reduce_max3A_19 = tpu.scan <max>, %reduce_max3A_18 masked %reduce_max3A_15 : vector<16xi32>, vector<16xi1> -> vector<16xi32>
      %reduce_max3A_20 = arith.xori %reduce_max3A_19, %reduce_max3A_17 : vector<16xi32>
      %reduce_max3A_21 = vector.extract %reduce_max3A_20[15] : i32 from vector<16xi32>
      %add3A_22 = arith.addi %mul3A_2, %scan3A_14 : i32
      %dma_start3A = arith.constant 0 : i32
      %dma_start3A_23 = tpu.memref_slice %arg6[%reduce_max3A_21, %dma_start3A] : memref<2x1024xf32, #tpu.memory_space<vmem>> -> memref<1x1024xf32, #tpu.memory_space<vmem>>
      %dma_start3A_24 = arith.constant 0 : i32
      %dma_start3A_25 = tpu.memref_slice %arg4[%add3A_22, %dma_start3A_24] : memref<32768x1024xf32, #tpu.memory_space<hbm>> -> memref<1x1024xf32, #tpu.memory_space<hbm>>
      %dma_start3A_26 = arith.constant 0 : i32
      %dma_start3A_27 = tpu.memref_slice %arg4[%add3A_22, %dma_start3A_26] : memref<32768x1024xf32, #tpu.memory_space<hbm>> -> memref<1x1024xf32, #tpu.memory_space<hbm>>
      %dma_start3A_28 = arith.constant 0 : i32
      %dma_start3A_29 = tpu.memref_slice %arg6[%reduce_max3A_21, %dma_start3A_28] : memref<2x1024xf32, #tpu.memory_space<vmem>> -> memref<1x1024xf32, #tpu.memory_space<vmem>>
      tpu.enqueue_dma source(%dma_start3A_29 : memref<1x1024xf32, #tpu.memory_space<vmem>>) target(%dma_start3A_27 : memref<1x1024xf32, #tpu.memory_space<hbm>>) target_semaphore(%arg7 : memref<!tpu.dma_semaphore, #tpu.memory_space<semaphore_mem>>)
    }
    %scan3A_7 = arith.constant 1024 : i32
    %scan3A_8 = arith.constant 0 : i32
    %scan3A_9 = arith.constant 0 : i32
    %scan3A_10 = arith.constant 1024 : i32
    %scan3A_11 = arith.addi %scan3A_9, %scan3A_10 : i32
    %scan3A_12 = arith.constant 1 : i32
    scf.for %scan3A_14 = %scan3A_9 to %scan3A_11 step %scan3A_12  : i32 {
      %dma_wait3A = arith.constant 0 : i32
      %dma_wait3A_15 = arith.constant 0 : i32
      %dma_wait3A_16 = tpu.memref_slice %arg6[%dma_wait3A, %dma_wait3A_15] : memref<2x1024xf32, #tpu.memory_space<vmem>> -> memref<1x1024xf32, #tpu.memory_space<vmem>>
      %dma_wait3A_17 = arith.constant 0 : i32
      %dma_wait3A_18 = tpu.memref_slice %arg4[%mul3A_2, %dma_wait3A_17] : memref<32768x1024xf32, #tpu.memory_space<hbm>> -> memref<1x1024xf32, #tpu.memory_space<hbm>>
      %dma_wait3A_19 = arith.constant 0 : i32
      %dma_wait3A_20 = tpu.memref_slice %arg4[%mul3A_2, %dma_wait3A_19] : memref<32768x1024xf32, #tpu.memory_space<hbm>> -> memref<1x1024xf32, #tpu.memory_space<hbm>>
      %dma_wait3A_21 = arith.constant 0 : i32
      %dma_wait3A_22 = arith.constant 0 : i32
      %dma_wait3A_23 = tpu.memref_slice %arg6[%dma_wait3A_21, %dma_wait3A_22] : memref<2x1024xf32, #tpu.memory_space<vmem>> -> memref<1x1024xf32, #tpu.memory_space<vmem>>
      tpu.wait_dma2 semaphore(%arg7 : memref<!tpu.dma_semaphore, #tpu.memory_space<semaphore_mem>>) src(%dma_wait3A_23 : memref<1x1024xf32, #tpu.memory_space<vmem>>) dst(%dma_wait3A_20 : memref<1x1024xf32, #tpu.memory_space<hbm>>)
    }
    %scan3A_13 = arith.constant 1024 : i32
    return
  }
}

</mosaic_0001>

<sc_bundles>
// kernel: kernel.3.cloned.1.call-start
scs
__scs_entry_jumppad:
0x0: {  	(pc) =	sbr.rel $0x88, $3  }
0x1: {  	(tag) =	ssettag $0x0;
	lr =	simm.s32 $0x1  }
0x2: {  	[smem:$0x3F9F] =	sst lr;
	_ =	strace $0xD0000000  }
0x3: {  	_ = 	snop  }
0x4: {  	_ = 	snop  }
0x5: {  	_ = 	snop  }
0x6: {  	_ = 	snop  }
0x7: {  	_ = 	snop  }
__scs_overlays_trampoline_lowered:
0x8: {  	[smem:$0x3FAE] =	sst s0  }
0x9: {  	[smem:$0x3FAF] =	sst s1  }
0xa: {  	[smem:$0x3FB0] =	sst s2  }
0xb: {  	[smem:$0x3FB1] =	sst s3  }
0xc: {  	[smem:$0x3FB2] =	sst s4  }
0xd: {  	[smem:$0x3FB3] =	sst s5  }
0xe: {  	[smem:$0x3FB4] =	sst s6  }
0xf: {  	[smem:$0x3FB5] =	sst s7  }
0x10: {  	[smem:$0x3FB6] =	sst s8  }
0x11: {  	[smem:$0x3FB7] =	sst s9;
	s0 =	simm.s32 @!p0 $0x0  }
0x12: {  	s1 =	sld [smem:$0x3F9D];
	s0 =	simm.s32 @p0 $0x1  }
0x13: {  	[smem:$0x3FB8] =	sst s0;
	s0 =	simm.s32 @!p1 $0x0  }
0x14: {  	s2 =	sld [smem:$0x3F9C];
	s0 =	simm.s32 @p1 $0x1  }
0x15: {  	[smem:$0x3FB9] =	sst s0;
	s0 =	simm.s32 @!p2 $0x0  }
0x16: {  	s3 =	sld [smem:$0x3FDB];
	s0 =	simm.s32 @p2 $0x1  }
0x17: {  	s4 =	simm.s32 $0x1BF5;
	[smem:$0x3FBB] =	sst s0  }
0x18: {  	s0 =	sld [smem:$0x3F9E];
	_ =	swait.ge [sflag:s4], $0x0  }
0x19: {  	s7 =	sld [smem:$0x3F9F]  }
0x1a: {  	s8 =	sadd.s32 $0xFFFFE003, lr  }
0x1b: {  	s9 =	sadd.s32 $0xFFFFFEF7, lr;
	s5 =	simm.s32 $0xFFFFFFFF;
	p2 =	slt.u32 s8, $0xFFFFF086  }
0x1c: {  	p1 =	slt.u32 s9, $0xF7A;
	s5 =	simm.s32 @!p2 $0x0  }
0x1d: {  	s5 =	simm.s32 @p1 $0x1;
	p0 =	seq.s32 s7, s2  }
0x1e: {  	s7 =	smul.u32 @!p0 $0xF7A, s2;
	p2 =	seq.s32 @!p0 s5, $0x0  }
0x1f: {  	s9 =	smul.u32 $0xF7A, s1;
	s8 =	simm.s32 @!p0 $0x1BF5;
	p2 =	por !p2, p0  }
0x20: {  	[sflag:s8] =	ssyncset.s32 @!p0 $0xFFFFF086;
	s6 =	sadd.s32 @!p0 s3, s7;
	s7 =	simm.s32 @!p0 $0x108  }
0x21: {  	s3 =	sadd.s32 s3, s9;
	s6 =	sadd.s32 @!p0 $0x88, s6;
	s7 =	simm.s32 @p2 $0x1082  }
0x22: {  	[simem:s7], [sflag:s8] =	dma.local @!p0 [hbm:s6], $0xF7A  }
0x23: {  	s9 =	sor.u32 $0xD0000000, s2;
	s6 =	simm.s32 $0x108;
	_ =	swait.ge @!p0 [sflag:s8], $0x0  }
0x24: {  	s3 =	sadd.s32 $0x88, s3;
	s6 =	simm.s32 @!p1 $0x1082;
	[sflag:s4] =	ssyncset.s32 $0xFFFFF086  }
0x25: {  	[simem:s6], [sflag:s4] =	dma.local [hbm:s3], $0xF7A  }
0x26: {  	[smem:$0x3F9F] =	sst s1;
	(tag) =	ssettag s2;
	_ =	strace s9  }
0x27: {  	s1 =	sld [smem:$0x3FAF]  }
0x28: {  	s2 =	sld [smem:$0x3FB0]  }
0x29: {  	s4 =	sld [smem:$0x3FB2]  }
0x2a: {  	p0 =	seq.s32 s5, $0x0;
	s5 =	sld [smem:$0x3FB3]  }
0x2b: {  	s6 =	sld [smem:$0x3FB4]  }
0x2c: {  	s7 =	sld [smem:$0x3FB5]  }
0x2d: {  	s3 =	simm.s32 $0x108;
	s8 =	sld [smem:$0x3FB6]  }
0x2e: {  	s3 =	simm.s32 @!p0 $0x1082;
	s9 =	sld [smem:$0x3FB7]  }
0x2f: {  	lr =	sadd.s32 s0, s3;
	s0 =	sld [smem:$0x3FAE]  }
0x30: {  	s3 =	sld [smem:$0x3FB1]  }
0x31: {  	[smem:$0x3FBA] =	sst s10  }
0x32: {  	s10 =	sld [smem:$0x3FB8];
	_ =	sdelay $0x3  }
0x33: {  	p0 =	seq.s32 s10, $0x1;
	s10 =	sld [smem:$0x3FBA];
	_ =	sdelay $0x3  }
0x34: {  	[smem:$0x3FBA] =	sst s10  }
0x35: {  	s10 =	sld [smem:$0x3FB9];
	_ =	sdelay $0x3  }
0x36: {  	p1 =	seq.s32 s10, $0x1;
	s10 =	sld [smem:$0x3FBA];
	_ =	sdelay $0x3  }
0x37: {  	[smem:$0x3FBA] =	sst s10  }
0x38: {  	s10 =	sld [smem:$0x3FBB]  }
0x39: {  	_ = 	snop;
	(pc) =	sbr.ind lr, $3  }
0x3a: {  	_ = 	snop  }
0x3b: {  	_ = 	snop  }
0x3c: {  	p2 =	seq.s32 s10, $0x1;
	s10 =	sld [smem:$0x3FBA]  }
0x3d: {  	_ =	shalt  }
0x3e: {  	_ =	shalt  }
0x3f: {  	_ =	shalt  }
0x40: {  	_ =	shalt  }
0x41: {  	_ =	shalt  }
0x42: {  	_ =	shalt  }
0x43: {  	_ =	shalt  }
0x44: {  	_ =	shalt  }
0x45: {  	_ =	shalt  }
0x46: {  	_ =	shalt  }
0x47: {  	_ =	shalt  }
0x48: {  	_ =	shalt  }
0x49: {  	_ =	shalt  }
0x4a: {  	_ =	shalt  }
0x4b: {  	_ =	shalt  }
0x4c: {  	_ =	shalt  }
0x4d: {  	_ =	shalt  }
0x4e: {  	_ =	shalt  }
0x4f: {  	_ =	shalt  }
0x50: {  	_ =	shalt  }
0x51: {  	_ =	shalt  }
0x52: {  	_ =	shalt  }
0x53: {  	_ =	shalt  }
0x54: {  	_ =	shalt  }
0x55: {  	_ =	shalt  }
0x56: {  	_ =	shalt  }
0x57: {  	_ =	shalt  }
0x58: {  	_ =	shalt  }
0x59: {  	_ =	shalt  }
0x5a: {  	_ =	shalt  }
0x5b: {  	_ =	shalt  }
0x5c: {  	_ =	shalt  }
0x5d: {  	_ =	shalt  }
0x5e: {  	_ =	shalt  }
0x5f: {  	_ =	shalt  }
0x60: {  	_ =	shalt  }
0x61: {  	_ =	shalt  }
0x62: {  	_ =	shalt  }
0x63: {  	_ =	shalt  }
0x64: {  	_ =	shalt  }
0x65: {  	_ =	shalt  }
0x66: {  	_ =	shalt  }
0x67: {  	_ =	shalt  }
0x68: {  	_ =	shalt  }
0x69: {  	_ =	shalt  }
0x6a: {  	_ =	shalt  }
0x6b: {  	_ =	shalt  }
0x6c: {  	_ =	shalt  }
0x6d: {  	_ =	shalt  }
0x6e: {  	_ =	shalt  }
0x6f: {  	_ =	shalt  }
0x70: {  	_ =	shalt  }
0x71: {  	_ =	shalt  }
0x72: {  	_ =	shalt  }
0x73: {  	_ =	shalt  }
0x74: {  	_ =	shalt  }
0x75: {  	_ =	shalt  }
0x76: {  	_ =	shalt  }
0x77: {  	_ =	shalt  }
0x78: {  	_ =	shalt  }
0x79: {  	_ =	shalt  }
0x7a: {  	_ =	shalt  }
0x7b: {  	_ =	shalt  }
0x7c: {  	_ =	shalt  }
0x7d: {  	_ =	shalt  }
0x7e: {  	_ =	shalt  }
0x7f: {  	_ =	shalt  }
0x80: {  	_ =	shalt  }
0x81: {  	_ =	shalt  }
0x82: {  	_ =	shalt  }
0x83: {  	_ =	shalt  }
0x84: {  	_ =	shalt  }
0x85: {  	_ =	shalt  }
0x86: {  	_ =	shalt  }
0x87: {  	_ =	shalt  }
.Lfunc_end0:
.L_simem_size_0:
called_computation_lowered:
.L_overlay_start_0:
0x88: {  	s2 =	sld [smem:$0x3FD9]  }
0x89: {  	s3 =	sld [smem:$0x3FFE];
	_ =	sdelay $0x1  }
0x8a: {  	s1 =	srdreg.scid  }
0x8b: {  	s0 =	sand.u32 $0x1, s1  }
0x8c: {  	s17 =	sshll.u32 s0, $0xA;
	s2 =	sadd.s32 s3, s2  }
0x8d: {  	s2 =	sadd.s32 s2, s17  }
0x8e: {  	[smem:$0x3FC6] =	sst s2  }
0x8f: {  	_ = 	snop  }
0x90: {  	s2 =	sld [smem:$0x3FC8]  }
0x91: {  	s18 =	sld [smem:$0x3FD0];
	(tm) =	ssettm $0x1  }
0x92: {  	s4 =	sld [smem:$0x3FFB];
	_ =	sdelay $0x3  }
0x93: {  	_ =	strace s4  }
0x94: {  	s4 =	sld [smem:$0x3FFC];
	_ =	sdelay $0x3  }
0x95: {  	_ =	strace s4  }
0x96: {  	s4 =	sld [smem:$0x3FFD];
	_ =	sdelay $0x3  }
0x97: {  	_ =	strace s4  }
0x98: {  	_ =	strace $0x8FFFFFFF  }
0x99: {  	s19 =	sld [smem:$0x3FDB];
	_ =	sdelay $0x1  }
0x9a: {  	s5 =	simm.s32 $_scs_section_size  }
0x9b: {  	s6 =	simm.s32 $_size__tile_overlayer_lowered;
	s7 =	simm.s32 $_tile_overlayer_lowered  }
0x9c: {  	s22 =	simm.s32 $0x1BFF;
	s21 =	sshll.u32 s7, $0x1;
	s4 =	sadd.s32 s5, s19  }
0x9d: {  	s8 =	simm.s32 $0x0;
	s20 =	sshll.u32 s6, $0x1;
	s6 =	sadd.s32 s21, s4  }
0x9e: {  	[timem:s8], [sflag:s22] =	dma.local [hbm:s6], s20  }
0x9f: {  	_ =	swait.ge [sflag:s22], s20  }
0xa0: {  	s5 =	ssub.s32 $0x0, s20;
	[sflag:s22] =	ssyncset.done $0x0  }
0xa1: {  	[sflag:s22] =	ssyncadd.s32 s5;
	_ =	sdelay $0x1  }
0xa2: {  	s23 =	simm.s32 $0x1B8B  }
0xa3: {  	_ =	swait.ge [sflag:s23], $0x1  }
0xa4: {  	[sflag:s23] =	ssyncset.done $0x0  }
0xa5: {  	s25 =	simm.s32 $0x1B8E;
	s24 =	sld [smem:$0x3FFE];
	[sflag:s23] =	ssyncadd.s32 $0xFFFFFFFF  }
0xa6: {  	s26 =	simm.s32 $execute0_lowered;
	[smem:$0x3FD2] =	sst s25  }
0xa7: {  	s6 =	sshll.u32 s26, $0x1;
	_ =	strace $0x80000046;
	[dreg:$0x1] =	wrdreg $0xFFFFFFFF  }
0xa8: {  	s28 =	simm.s32 $_size_execute0_lowered;
	s4 =	sadd.s32 s4, s6;
	[dreg:$0x0] =	wrdreg $0x0  }
0xa9: {  	s6 =	sshll.u32 s28, $0x1;
	[dreg:$0x2] =	wrdreg s4  }
0xaa: {  	[dreg:$0x3] =	wrdreg s6  }
0xab: {  	[dreg:$0x4] =	wrdreg $0xC0  }
0xac: {  	_ =	task [dreg:s8], $0x5FFFF  }
0xad: {  	[dreg:$0x1] =	wrdreg $0xFFFFFFFF  }
0xae: {  	[dreg:$0x0] =	wrdreg $0x60  }
0xaf: {  	[dreg:$0x2] =	wrdreg s24  }
0xb0: {  	[dreg:$0x3] =	wrdreg s2  }
0xb1: {  	[dreg:$0x4] =	wrdreg s18  }
0xb2: {  	[dreg:$0x5] =	wrdreg $0x9  }
0xb3: {  	_ =	task.clear_ibuf [dreg:s8], $0x6FFFF;
	_ =	strace $0x90000046  }
0xb4: {  	s29 =	simm.s32 $0x9;
	_ =	strace $0x80000048  }
0xb5: {  	_ =	swait.ge [sflag:s29], $0x1  }
0xb6: {  	[sflag:s29] =	ssyncadd.s32 $0xFFFFFFFF  }
0xb7: {  	_ =	strace $0x90000048  }
0xb8: {  	_ =	sfence  }
0xb9: {  	s30 =	sld [smem:$0x0];
	_ =	sdelay $0x2  }
0xba: {  	s31 =	sshll.u32 s1, $0xD;
	s1 =	sshrl.u32 s1, $0x2  }
0xbb: {  	s3 =	sand.u32 $0x4000, s31;
	s1 =	sadd.s32 s1, s30  }
0xbc: {  	s0 =	sor.u32 s3, s0;
	s1 =	sshll.u32 s1, $0x11  }
0xbd: {  	s0 =	sor.u32 s1, s0  }
0xbe: {  	s0 =	sadd.s32 $0x8F2B, s0  }
0xbf: {  	[sflag:s0] =	ssyncadd.remote.s32 $0x1  }
0xc0: {  	_ =	sfence.sel $0xFFFF  }
0xc1: {  	[dreg:$0x0] =	wrdreg $0xFFFFFFFF;
	(pc) =	sbr.abs _section_cstart, $3  }
0xc2: {  	[dreg:$0x1] =	wrdreg $0xFFFFFFFF  }
0xc3: {  	_ =	task.clear_ibuf [dreg:s8], $0x2FFFF;
	_ =	strace $0x9FFFFFFF  }
0xc4: {  	(tm) =	ssettm $0x7FFFFFFF  }
0xc5: {  	_ =	shalt  }
tec
execute0_lowered:
.L_overlay_start_1:
0x0: {  	(tag) =	ssettag $0x1  }
0x1: {  	s5 =	rddreg [dreg:$0x0]  }
0x2: {  	s2 =	rddreg [dreg:$0x1];
	s0 =	srdreg.scid  }
0x3: {  	s3 =	rddreg [dreg:$0x2];
	s1 =	stileid.u32;
	s4 =	simm.s32 $0x0  }
0x4: {  	s10 =	simm.s32 $0x1;
	s6 =	sand.u32 $0x1, s0;
	s0 =	rddreg [dreg:$0x3]  }
0x5: {  	s11 =	simm.s32 $0x0;
	s7 =	sshll.u32 s1, $0xB;
	[smem:$0x7FF] =	sst s4  }
0x6: {  	s30 =	sshll.u32 s1, $0x12;
	s8 =	sshll.u32 s6, $0xA;
	s28 =	ssub.s32 $0x2, s6  }
0x7: {  	_ =	strace $0x80000047;
	s31 =	sshll.u32 s6, $0x11;
	s7 =	sor.u32 s8, s7  }
0x8: {  	s9 =	sshrl.u32 s28, $0x1;
	s8 =	simm.s32 $0x400;
	s7 =	sshrl.u32 s7, $0x3  }
0x9: {  	s29 =	ssub.s32 s28, s9;
	s9 =	simm.s32 $0x2;
	s5 =	sadd.s32 s7, s5  }
0xa: {  	s6 =	smax.u32 s29, $0x1;
	s7 =	sor.u32 s31, s30;
	s5 =	sadd.s32 $0x400, s5  }
.LBB2_1:
0xb: {  	[tilespmem:s8], [sflag:$0x2] =	stream.linear.gather [hbm4b:s2+s4], $0x800, $0x38;
	[tilespmem:$0xC00] =	vst v63  }
0xc: {  	_ =	swait.ge [sflag:s9], $0x800  }
0xd: {  	[sflag:s9] =	ssyncset.done $0x0  }
0xe: {  	v0 =	vmov s4;
	[sflag:s9] =	ssyncadd.s32 $0xFFFFF800  }
0xf: {  	[tilespmem:s4], [sflag:$0x2] =	stream.linear.gather [hbm4b:s5+s4], $0x400, $0x38;
	[tilespmem:$0xC00] =	vst v63  }
0x10: {  	_ =	swait.ge [sflag:s9], $0x400  }
0x11: {  	[sflag:s9] =	ssyncset.done $0x0  }
0x12: {  	[sflag:s9] =	ssyncadd.s32 $0xFFFFFC00  }
0x13: {  	v0 =	vld.idx.msk [tilespmem:v0+s4+$0x0], $0xffff;
	_ =	sdelay $0x4  }
0x14: {  	v0 =	vxor.u32 $0x80000000, v0  }
0x15: {  	(xrf0) =	vmax.scan.msk.u32 $0xffff, v0;
	_ =	sdelay $0x5  }
0x16: {  	v0, _, _ =	vpop (xrf0)  }
0x17: {  	(v2sf) =	vpush v0, $0xF;
	_ =	sdelay $0xe  }
0x18: {  	s12 =	spop (v2sf)  }
0x19: {  	s13 =	sshll.u32 s12, $0x7  }
0x1a: {  	s14 =	sand.u32 $0x70, s4;
	s12 =	sshll.u32 s12, $0xA;
	s13 =	sand.u32 $0x80, s13  }
0x1b: {  	s19 =	sand.u32 $0x3FFC00, s7;
	s14 =	sadd.s32 s3, s14;
	s12 =	sor.u32 s13, s12  }
0x1c: {  	s13 =	sadd.s32 s19, s14;
	s15 =	sor.u32 $0x400, s12  }
0x1d: {  	[hbm4b:s13+s4] =	stream.linear.scatter [tilespmem:s15], [sflag:$0x1], $0x80, $0x38;
	[tilespmem:$0xC00] =	vst v63  }
0x1e: {  	s31 =	simm.s32 $0x1;
	s20 =	sor.u32 $0x500, s12;
	s16 =	sadd.s32 $0x80, s13  }
0x1f: {  	[hbm4b:s16+s4] =	stream.linear.scatter [tilespmem:s20], [sflag:$0x1], $0x80, $0x38;
	[tilespmem:$0xC00] =	vst v63  }
0x20: {  	s14 =	simm.s32 $0x2;
	s21 =	sor.u32 $0x600, s12;
	s22 =	sadd.s32 $0x100, s13  }
0x21: {  	[hbm4b:s22+s4] =	stream.linear.scatter [tilespmem:s21], [sflag:$0x1], $0x80, $0x38;
	[tilespmem:$0xC00] =	vst v63  }
0x22: {  	s12 =	sor.u32 $0x700, s12;
	s23 =	sadd.s32 $0x180, s13;
	s25 =	sadd.s32 $0x200, s13  }
0x23: {  	[hbm4b:s23+s4] =	stream.linear.scatter [tilespmem:s12], [sflag:$0x1], $0x80, $0x38;
	[tilespmem:$0xC00] =	vst v63  }
0x24: {  	s28 =	sadd.s32 $0x280, s13;
	s30 =	sadd.s32 $0x300, s13;
	s24 =	sadd.s32 $0x400, s15  }
0x25: {  	[hbm4b:s25+s4] =	stream.linear.scatter [tilespmem:s24], [sflag:$0x1], $0x80, $0x38;
	[tilespmem:$0xC00] =	vst v63  }
0x26: {  	v0 =	vmov s31;
	s26 =	sadd.s32 $0x500, s15;
	s29 =	sadd.s32 $0x600, s15;
	s15 =	sadd.s32 $0x700, s15  }
0x27: {  	[hbm4b:s28+s4] =	stream.linear.scatter [tilespmem:s26], [sflag:$0x1], $0x80, $0x38;
	[tilespmem:$0xC00] =	vst v63  }
0x28: {  	s16 =	sadd.s32 $0x380, s13;
	s13 =	simm.s32 $0x10;
	s12 =	sadd.s32 $0x80, s7  }
0x29: {  	[hbm4b:s30+s4] =	stream.linear.scatter [tilespmem:s29], [sflag:$0x1], $0x80, $0x38;
	[tilespmem:$0xC00] =	vst v63  }
.LBB2_2:
0x2a: {  	[hbm4b:s16+s4] =	stream.linear.scatter [tilespmem:s15], [sflag:$0x1], $0x80, $0x38;
	[tilespmem:$0xC00] =	vst v63  }
0x2b: {  	p0 =	sne.s32 s14, $0x3FF;
	s15 =	smov.u32 s14;
	s14 =	sadd.s32 $0x1, s14;
	v0 =	vld.idx.msk [tilespmem:v0+s4+$0x0], $0xffff  }
0x2c: {  	_ =	sdelay $0x4  }
0x2d: {  	v0 =	vxor.u32 $0x80000000, v0  }
0x2e: {  	(xrf0) =	vmax.scan.msk.u32 $0xffff, v0;
	_ =	sdelay $0x5  }
0x2f: {  	v0, _, _ =	vpop (xrf0)  }
0x30: {  	(v2sf) =	vpush v0, $0xF;
	_ =	sdelay $0xe  }
0x31: {  	s16 =	spop (v2sf)  }
0x32: {  	s17 =	sshll.u32 s16, $0x7  }
0x33: {  	s18 =	sand.u32 $0x70, s13;
	s16 =	sshll.u32 s16, $0xA;
	s17 =	sand.u32 $0x80, s17  }
0x34: {  	s18 =	sadd.s32 s3, s18;
	s16 =	sor.u32 s17, s16;
	s17 =	sand.u32 $0x3FFC00, s12  }
0x35: {  	s19 =	sor.u32 $0x400, s16;
	s17 =	sadd.s32 s17, s18  }
0x36: {  	[hbm4b:s17+s4] =	stream.linear.scatter [tilespmem:s19], [sflag:$0x1], $0x80, $0x38;
	[tilespmem:$0xC00] =	vst v63  }
0x37: {  	s18 =	sor.u32 $0x500, s16;
	s20 =	sadd.s32 $0x80, s17  }
0x38: {  	[hbm4b:s20+s4] =	stream.linear.scatter [tilespmem:s18], [sflag:$0x1], $0x80, $0x38;
	[tilespmem:$0xC00] =	vst v63  }
0x39: {  	s18 =	sor.u32 $0x600, s16;
	s20 =	sadd.s32 $0x100, s17  }
0x3a: {  	[hbm4b:s20+s4] =	stream.linear.scatter [tilespmem:s18], [sflag:$0x1], $0x80, $0x38;
	[tilespmem:$0xC00] =	vst v63  }
0x3b: {  	s16 =	sor.u32 $0x700, s16;
	s18 =	sadd.s32 $0x180, s17  }
0x3c: {  	[hbm4b:s18+s4] =	stream.linear.scatter [tilespmem:s16], [sflag:$0x1], $0x80, $0x38;
	[tilespmem:$0xC00] =	vst v63  }
0x3d: {  	s16 =	sadd.s32 $0x400, s19;
	s18 =	sadd.s32 $0x200, s17  }
0x3e: {  	[hbm4b:s18+s4] =	stream.linear.scatter [tilespmem:s16], [sflag:$0x1], $0x80, $0x38;
	[tilespmem:$0xC00] =	vst v63  }
.Ltmp0:
0x3f: {  	s16 =	sadd.s32 $0x500, s19;
	s18 =	sadd.s32 $0x280, s17;
	(pc) =	sbr.rel @p0 .LBB2_2-.Ltmp0, $4  }
0x40: {  	v0 =	vmov s15;
	[hbm4b:s18+s4] =	stream.linear.scatter [tilespmem:s16], [sflag:$0x1], $0x80, $0x38;
	[tilespmem:$0xC00] =	vst v63  }
0x41: {  	s12 =	sadd.s32 $0x80, s12;
	s15 =	sadd.s32 $0x600, s19;
	s16 =	sadd.s32 $0x300, s17  }
0x42: {  	[hbm4b:s16+s4] =	stream.linear.scatter [tilespmem:s15], [sflag:$0x1], $0x80, $0x38;
	[tilespmem:$0xC00] =	vst v63  }
0x43: {  	s13 =	sadd.s32 $0x10, s13;
	s15 =	sadd.s32 $0x700, s19;
	s16 =	sadd.s32 $0x380, s17  }
0x44: {  	_ =	sdelay $0x2  }
0x45: {  	[hbm4b:s16+s4] =	stream.linear.scatter [tilespmem:s15], [sflag:$0x1], $0x80, $0x38;
	[tilespmem:$0xC00] =	vst v63  }
0x46: {  	v0 =	vld.idx.msk [tilespmem:v0+s4+$0x0], $0xffff;
	_ =	sdelay $0x4  }
0x47: {  	v0 =	vxor.u32 $0x80000000, v0  }
0x48: {  	(xrf0) =	vmax.scan.msk.u32 $0xffff, v0;
	_ =	sdelay $0x5  }
0x49: {  	v0, _, _ =	vpop (xrf0)  }
0x4a: {  	(v2sf) =	vpush v0, $0xF;
	_ =	sdelay $0xe  }
0x4b: {  	s14 =	spop (v2sf)  }
0x4c: {  	s17 =	sshll.u32 s14, $0x7  }
0x4d: {  	s13 =	sand.u32 $0x70, s13;
	s14 =	sshll.u32 s14, $0xA;
	s15 =	sand.u32 $0x80, s17  }
0x4e: {  	s12 =	sand.u32 $0x3FFC00, s12;
	s13 =	sadd.s32 s3, s13;
	s14 =	sor.u32 s15, s14  }
0x4f: {  	s12 =	sadd.s32 s12, s13;
	s15 =	sor.u32 $0x400, s14  }
0x50: {  	[hbm4b:s12+s4] =	stream.linear.scatter [tilespmem:s15], [sflag:$0x1], $0x80, $0x38;
	[tilespmem:$0xC00] =	vst v63  }
0x51: {  	s19 =	sadd.s32 $0x80, s12;
	s18 =	sor.u32 $0x500, s14  }
0x52: {  	[hbm4b:s19+s4] =	stream.linear.scatter [tilespmem:s18], [sflag:$0x1], $0x80, $0x38;
	[tilespmem:$0xC00] =	vst v63  }
0x53: {  	s21 =	sadd.s32 $0x100, s12;
	s20 =	sor.u32 $0x600, s14  }
0x54: {  	[hbm4b:s21+s4] =	stream.linear.scatter [tilespmem:s20], [sflag:$0x1], $0x80, $0x38;
	[tilespmem:$0xC00] =	vst v63  }
0x55: {  	s23 =	sadd.s32 $0x180, s12;
	s22 =	sor.u32 $0x700, s14  }
0x56: {  	[hbm4b:s23+s4] =	stream.linear.scatter [tilespmem:s22], [sflag:$0x1], $0x80, $0x38;
	[tilespmem:$0xC00] =	vst v63  }
0x57: {  	s25 =	sadd.s32 $0x200, s12;
	s24 =	sadd.s32 $0x400, s15  }
0x58: {  	[hbm4b:s25+s4] =	stream.linear.scatter [tilespmem:s24], [sflag:$0x1], $0x80, $0x38;
	[tilespmem:$0xC00] =	vst v63  }
0x59: {  	s28 =	sadd.s32 $0x280, s12;
	s26 =	sadd.s32 $0x500, s15  }
0x5a: {  	[hbm4b:s28+s4] =	stream.linear.scatter [tilespmem:s26], [sflag:$0x1], $0x80, $0x38;
	[tilespmem:$0xC00] =	vst v63  }
0x5b: {  	s30 =	sadd.s32 $0x300, s12;
	s29 =	sadd.s32 $0x600, s15  }
0x5c: {  	[hbm4b:s30+s4] =	stream.linear.scatter [tilespmem:s29], [sflag:$0x1], $0x80, $0x38;
	[tilespmem:$0xC00] =	vst v63  }
0x5d: {  	s31 =	sadd.s32 $0x700, s15;
	s12 =	sadd.s32 $0x380, s12  }
0x5e: {  	[hbm4b:s12+s4] =	stream.linear.scatter [tilespmem:s31], [sflag:$0x1], $0x80, $0x38;
	[tilespmem:$0xC00] =	vst v63  }
0x5f: {  	_ =	swait.ge [sflag:s10], $0x400  }
0x60: {  	s12 =	simm.s32 $0x3FF;
	[sflag:s10] =	ssyncset.done $0x0  }
.LBB2_4:
0x61: {  	p0 =	sne.s32 s12, $0x1;
	s12 =	sadd.s32 $0xFFFFFFFF, s12;
	[sflag:s10] =	ssyncadd.s32 $0xFFFFFC00  }
.Ltmp1:
0x62: {  	(pc) =	sbr.rel @p0 .LBB2_4-.Ltmp1, $3  }
0x63: {  	_ =	sdelay $0x1  }
0x64: {  	_ =	swait.ge [sflag:s10], $0x400  }
0x65: {  	[sflag:s10] =	ssyncset.done $0x0  }
0x66: {  	s11 =	sadd.s32 $0x1, s11  }
0x67: {  	p0 =	sne.s32 s11, s6  }
.Ltmp2:
0x68: {  	_ = 	snop;
	(pc) =	sbr.rel @p0 .LBB2_1-.Ltmp2, $2  }
0x69: {  	_ =	sdelay $0x2  }
0x6a: {  	[sflag:s10] =	ssyncadd.s32 $0xFFFFFC00  }
0x6b: {  	_ =	sfence.sel $0x180000  }
0x6c: {  	[bflag:$0x0] =	sbarrier.arrive $0xFFFF  }
0x6d: {  	p0 =	sne.s32 s1, $0x0;
	_ =	strace $0x90000047  }
0x6e: {  	s0 =	sadd.s32 @!p0 $0x100000, s0;
	[bflag:$0x2] =	sbarrier.arrive $0xFFFF  }
0x6f: {  	[sflag:s0] =	ssyncadd.tile.s32 @!p0 $0x1;
	_ =	shalt  }
.Lfunc_end2:
_tile_overlayer_lowered:
.L_overlay_start_2:
0x70: {  	(tag) =	ssettag $0x2  }
0x71: {  	s0 =	rddreg [dreg:$0x0];
	s2 =	stileid.u32  }
0x72: {  	s1 =	rddreg [dreg:$0x1];
	p0 =	sne.s32 s2, $0x0  }
0x73: {  	s3 =	rddreg [dreg:$0x2];
	[bflag:$0x3] =	sbarrier.arrive $0xFFFF;
	s2 =	simm.s32 @!p0 $0x1C02  }
0x74: {  	[timem:s3], [sflag:s2] =	dma.local @!p0 [hbm:s0], s1  }
0x75: {  	s0 =	simm.s32 @!p0 $0x2  }
0x76: {  	_ =	swait.ge @!p0 [sflag:s0], s1  }
0x77: {  	s1 =	ssub.s32 @!p0 $0x0, s1;
	[sflag:s0] =	ssyncset.done @!p0 $0x0  }
0x78: {  	[sflag:s0] =	ssyncadd.s32 @!p0 s1  }
0x79: {  	[bflag:$0x3] =	sbarrier.arrive $0xFFFF  }
0x7a: {  	_ =	shalt  }

</sc_bundles>
